<compile_context>
chip_gen: v7x
topology: tpu7x:2x2x1
jax: 0.10.2.dev20260603
libtpu: 0.0.44.dev20260713+nightly
codegen_flags: <defaults>
</compile_context>

<pallas_src>
import functools

import jax
import jax.numpy as jnp
from jax import lax
from jax.experimental import pallas as pl
from jax.experimental.pallas import tpu as pltpu
from jax.experimental.pallas import tpu_sc as plsc

D_MODEL = 1024
N_ROWS = 32768
NC, NS = 2, 16
NW = NC * NS
ROWS_PER_W = N_ROWS // NW
CHUNK = 32
NBUF = 3
N_CHUNKS = ROWS_PER_W // CHUNK
N_FULL = (N_CHUNKS // NBUF) * NBUF
TAIL = N_CHUNKS - N_FULL


def _make_gather():
    mesh = plsc.VectorSubcoreMesh(
        core_axis_name="c", subcore_axis_name="s",
        num_cores=NC, num_subcores=NS)

    @functools.partial(
        pl.kernel,
        out_type=jax.ShapeDtypeStruct((N_ROWS, D_MODEL), jnp.float32),
        mesh=mesh,
        scratch_types=(
            [pltpu.VMEM((N_CHUNKS, CHUNK), jnp.int32)]
            + [pltpu.VMEM((CHUNK, D_MODEL), jnp.float32)] * NBUF
            + [pltpu.SemaphoreType.DMA] * NBUF
        ),
    )
    def gather_kernel(idx_hbm, table_hbm, out_hbm, idx_v, *bufs_and_sems):
        bufs = bufs_and_sems[:NBUF]
        gsems = bufs_and_sems[NBUF:]
        wid = lax.axis_index("s") * NC + lax.axis_index("c")
        base = wid * ROWS_PER_W
        pltpu.sync_copy(idx_hbm.at[wid], idx_v)

        def start_gather(j, b):
            pltpu.make_async_copy(
                table_hbm.at[idx_v.at[j]], bufs[b], gsems[b]).start()

        def wait_gather(j, b):
            pltpu.make_async_copy(
                table_hbm.at[idx_v.at[j]], bufs[b], gsems[b]).wait()

        def write_out(j, b):
            pltpu.sync_copy(bufs[b], out_hbm.at[pl.ds(base + j * CHUNK, CHUNK)])

        for b in range(NBUF):
            start_gather(b, b)

        def body(t, _):
            for b in range(NBUF):
                j = NBUF * t + b
                wait_gather(j, b)
                write_out(j, b)

                @pl.when(j + NBUF < N_CHUNKS)
                def _():
                    start_gather(j + NBUF, b)

            return ()

        lax.fori_loop(0, N_FULL // NBUF, body, (), unroll=False)

        for b in range(TAIL):
            j = N_FULL + b
            wait_gather(j, b)
            write_out(j, b)

    return gather_kernel


_gather = _make_gather()


def kernel(positions, pe):
    idx = positions.reshape(NW, N_CHUNKS, CHUNK).astype(jnp.int32)
    out = _gather(idx, pe)
    return out.reshape(positions.shape[0], positions.shape[1], D_MODEL)

# --- scband reference (transcript-rebuilt; emitter-appended) ---
"""Pipeline reference for scband-optimized-positional-encoding-46291157516380 (READ-ONLY COPY).

The authoritative reference and input builder live on the scoring server;
editing this copy changes nothing except your own understanding.
"""

import jax, jax.numpy as jnp
import numpy as np

D_MODEL = 1024
MAX_SEQ_LEN = 8192
BATCH = 4
SEQ_LEN = 8192


def _build_pe():
    pe = np.zeros((MAX_SEQ_LEN, D_MODEL), dtype=np.float32)
    position = np.arange(0, MAX_SEQ_LEN, dtype=np.float32)[:, None]
    div_term = np.exp(np.arange(0, D_MODEL, 2).astype(np.float32) * (-np.log(10000.0) / D_MODEL))
    pe[:, 0::2] = np.sin(position * div_term)
    pe[:, 1::2] = np.cos(position * div_term)
    return jnp.asarray(pe)


def setup_inputs(seed: int = 0) -> dict:
    key = jax.random.key(seed)
    k1, _ = jax.random.split(key)
    positions = jax.random.randint(k1, (BATCH, SEQ_LEN), 0, MAX_SEQ_LEN, dtype=jnp.int64 if jax.config.jax_enable_x64 else jnp.int32)
    pe = _build_pe()
    return {"positions": positions, "pe": pe}


def reference(positions, pe):
    # Faithful translation of: return self.pe[positions]
    return jnp.take(pe, positions, axis=0)

if __name__ == "__main__":
    import jax
    _d = setup_inputs()
    print(jax.jit(kernel)(*tuple(_d.values())))

</pallas_src>

<mosaic_0001>
#map = affine_map<(d0, d1) -> (0, 0, 0)>
#map1 = affine_map<(d0, d1) -> (0, 0)>
module attributes {stable_mosaic.version = 14 : i64} {
  func.func @gather_kernel(%arg0: i32, %arg1: i32, %arg2: memref<32x32x32xi32, #tpu.memory_space<hbm>>, %arg3: memref<8192x1024xf32, #tpu.memory_space<hbm>>, %arg4: memref<32768x1024xf32, #tpu.memory_space<hbm>>, %arg5: memref<32x32xi32, #tpu.memory_space<vmem>>, %arg6: memref<32x1024xf32, #tpu.memory_space<vmem>>, %arg7: memref<32x1024xf32, #tpu.memory_space<vmem>>, %arg8: memref<32x1024xf32, #tpu.memory_space<vmem>>, %arg9: memref<!tpu.dma_semaphore, #tpu.memory_space<semaphore_mem>>, %arg10: memref<!tpu.dma_semaphore, #tpu.memory_space<semaphore_mem>>, %arg11: memref<!tpu.dma_semaphore, #tpu.memory_space<semaphore_mem>>) attributes {dimension_semantics = [#tpu.dimension_semantics<core_parallel>, #tpu.dimension_semantics<subcore_parallel>], iteration_bounds = array<i64: 2, 16>, scalar_prefetch = 0 : i64, scratch_operands = 7 : i64, tpu.core_type = #tpu.core_type<sc_vector_subcore>, window_params = [{transform_indices = #map}, {transform_indices = #map1}, {transform_indices = #map1}]} {
    %mul3A = arith.constant 2 : i32
    %mul3A_0 = arith.muli %arg1, %mul3A : i32
    %add3A = arith.addi %mul3A_0, %arg0 : i32
    %mul3A_1 = arith.constant 1024 : i32
    %mul3A_2 = arith.muli %add3A, %mul3A_1 : i32
    "tpu.region"() ({
      %run_scoped3A = tpu.sem_alloc : memref<!tpu.dma_semaphore, #tpu.memory_space<semaphore_mem>>
      %dma_start3A_44 = arith.constant 0 : i32
      %dma_start3A_45 = arith.constant 0 : i32
      %dma_start3A_46 = tpu.memref_slice %arg2[%add3A, %dma_start3A_44, %dma_start3A_45] : memref<32x32x32xi32, #tpu.memory_space<hbm>> -> memref<1x32x32xi32, #tpu.memory_space<hbm>>
      %dma_start3A_47 = tpu.memref_squeeze %dma_start3A_46 : memref<1x32x32xi32, #tpu.memory_space<hbm>> -> memref<32x32xi32, #tpu.memory_space<hbm>>
      %dma_start3A_48 = arith.constant 0 : i32
      %dma_start3A_49 = arith.constant 0 : i32
      %dma_start3A_50 = tpu.memref_slice %arg2[%add3A, %dma_start3A_48, %dma_start3A_49] : memref<32x32x32xi32, #tpu.memory_space<hbm>> -> memref<1x32x32xi32, #tpu.memory_space<hbm>>
      %dma_start3A_51 = tpu.memref_squeeze %dma_start3A_50 : memref<1x32x32xi32, #tpu.memory_space<hbm>> -> memref<32x32xi32, #tpu.memory_space<hbm>>
      tpu.enqueue_dma source(%dma_start3A_51 : memref<32x32xi32, #tpu.memory_space<hbm>>) target(%arg5 : memref<32x32xi32, #tpu.memory_space<vmem>>) target_semaphore(%run_scoped3A : memref<!tpu.dma_semaphore, #tpu.memory_space<semaphore_mem>>)
      %dma_wait3A_52 = arith.constant 0 : i32
      %dma_wait3A_53 = arith.constant 0 : i32
      %dma_wait3A_54 = tpu.memref_slice %arg2[%add3A, %dma_wait3A_52, %dma_wait3A_53] : memref<32x32x32xi32, #tpu.memory_space<hbm>> -> memref<1x32x32xi32, #tpu.memory_space<hbm>>
      %dma_wait3A_55 = tpu.memref_squeeze %dma_wait3A_54 : memref<1x32x32xi32, #tpu.memory_space<hbm>> -> memref<32x32xi32, #tpu.memory_space<hbm>>
      %dma_wait3A_56 = arith.constant 0 : i32
      %dma_wait3A_57 = arith.constant 0 : i32
      %dma_wait3A_58 = tpu.memref_slice %arg2[%add3A, %dma_wait3A_56, %dma_wait3A_57] : memref<32x32x32xi32, #tpu.memory_space<hbm>> -> memref<1x32x32xi32, #tpu.memory_space<hbm>>
      %dma_wait3A_59 = tpu.memref_squeeze %dma_wait3A_58 : memref<1x32x32xi32, #tpu.memory_space<hbm>> -> memref<32x32xi32, #tpu.memory_space<hbm>>
      tpu.wait_dma2 semaphore(%run_scoped3A : memref<!tpu.dma_semaphore, #tpu.memory_space<semaphore_mem>>) src(%dma_wait3A_59 : memref<32x32xi32, #tpu.memory_space<hbm>>) dst(%arg5 : memref<32x32xi32, #tpu.memory_space<vmem>>)
      tpu.yield
    }) : () -> ()
    %dma_start3A = arith.constant 0 : i32
    %dma_start3A_3 = arith.constant 0 : i32
    %dma_start3A_4 = tpu.memref_slice %arg5[%dma_start3A, %dma_start3A_3] : memref<32x32xi32, #tpu.memory_space<vmem>> -> memref<1x32xi32, #tpu.memory_space<vmem>>
    %dma_start3A_5 = tpu.memref_squeeze %dma_start3A_4 : memref<1x32xi32, #tpu.memory_space<vmem>> -> memref<32xi32, #tpu.memory_space<vmem>>
    %dma_start3A_6 = arith.constant 0 : i32
    %dma_start3A_7 = arith.constant 0 : i32
    %dma_start3A_8 = tpu.memref_slice %arg3[%dma_start3A_6, %dma_start3A_7] : memref<8192x1024xf32, #tpu.memory_space<hbm>> -> memref<8192x1024xf32, #tpu.memory_space<hbm>>
    tpu.enqueue_indirect_dma source(%dma_start3A_8 : memref<8192x1024xf32, #tpu.memory_space<hbm>>) target(%arg6 : memref<32x1024xf32, #tpu.memory_space<vmem>>) offsets(%dma_start3A_5 : memref<32xi32, #tpu.memory_space<vmem>>) semaphore(%arg9 : memref<!tpu.dma_semaphore, #tpu.memory_space<semaphore_mem>>)
    %dma_start3A_9 = arith.constant 1 : i32
    %dma_start3A_10 = arith.constant 0 : i32
    %dma_start3A_11 = tpu.memref_slice %arg5[%dma_start3A_9, %dma_start3A_10] : memref<32x32xi32, #tpu.memory_space<vmem>> -> memref<1x32xi32, #tpu.memory_space<vmem>>
    %dma_start3A_12 = tpu.memref_squeeze %dma_start3A_11 : memref<1x32xi32, #tpu.memory_space<vmem>> -> memref<32xi32, #tpu.memory_space<vmem>>
    %dma_start3A_13 = arith.constant 0 : i32
    %dma_start3A_14 = arith.constant 0 : i32
    %dma_start3A_15 = tpu.memref_slice %arg3[%dma_start3A_13, %dma_start3A_14] : memref<8192x1024xf32, #tpu.memory_space<hbm>> -> memref<8192x1024xf32, #tpu.memory_space<hbm>>
    tpu.enqueue_indirect_dma source(%dma_start3A_15 : memref<8192x1024xf32, #tpu.memory_space<hbm>>) target(%arg7 : memref<32x1024xf32, #tpu.memory_space<vmem>>) offsets(%dma_start3A_12 : memref<32xi32, #tpu.memory_space<vmem>>) semaphore(%arg10 : memref<!tpu.dma_semaphore, #tpu.memory_space<semaphore_mem>>)
    %dma_start3A_16 = arith.constant 2 : i32
    %dma_start3A_17 = arith.constant 0 : i32
    %dma_start3A_18 = tpu.memref_slice %arg5[%dma_start3A_16, %dma_start3A_17] : memref<32x32xi32, #tpu.memory_space<vmem>> -> memref<1x32xi32, #tpu.memory_space<vmem>>
    %dma_start3A_19 = tpu.memref_squeeze %dma_start3A_18 : memref<1x32xi32, #tpu.memory_space<vmem>> -> memref<32xi32, #tpu.memory_space<vmem>>
    %dma_start3A_20 = arith.constant 0 : i32
    %dma_start3A_21 = arith.constant 0 : i32
    %dma_start3A_22 = tpu.memref_slice %arg3[%dma_start3A_20, %dma_start3A_21] : memref<8192x1024xf32, #tpu.memory_space<hbm>> -> memref<8192x1024xf32, #tpu.memory_space<hbm>>
    tpu.enqueue_indirect_dma source(%dma_start3A_22 : memref<8192x1024xf32, #tpu.memory_space<hbm>>) target(%arg8 : memref<32x1024xf32, #tpu.memory_space<vmem>>) offsets(%dma_start3A_19 : memref<32xi32, #tpu.memory_space<vmem>>) semaphore(%arg11 : memref<!tpu.dma_semaphore, #tpu.memory_space<semaphore_mem>>)
    %scan3A = arith.constant 0 : i32
    %scan3A_23 = arith.constant 10 : i32
    %scan3A_24 = arith.addi %scan3A, %scan3A_23 : i32
    %scan3A_25 = arith.constant 1 : i32
    scf.for %scan3A_44 = %scan3A to %scan3A_24 step %scan3A_25  : i32 {
      %mul3A_45 = arith.constant 3 : i32
      %mul3A_46 = arith.muli %mul3A_45, %scan3A_44 : i32
      %add3A_47 = arith.constant 0 : i32
      %add3A_48 = arith.addi %mul3A_46, %add3A_47 : i32
      %dma_wait3A_49 = arith.constant 0 : i32
      %dma_wait3A_50 = tpu.memref_slice %arg5[%add3A_48, %dma_wait3A_49] : memref<32x32xi32, #tpu.memory_space<vmem>> -> memref<1x32xi32, #tpu.memory_space<vmem>>
      %dma_wait3A_51 = tpu.memref_squeeze %dma_wait3A_50 : memref<1x32xi32, #tpu.memory_space<vmem>> -> memref<32xi32, #tpu.memory_space<vmem>>
      %dma_wait3A_52 = arith.constant 0 : i32
      %dma_wait3A_53 = arith.constant 0 : i32
      %dma_wait3A_54 = tpu.memref_slice %arg3[%dma_wait3A_52, %dma_wait3A_53] : memref<8192x1024xf32, #tpu.memory_space<hbm>> -> memref<8192x1024xf32, #tpu.memory_space<hbm>>
      tpu.wait_indirect_dma semaphore(%arg9 : memref<!tpu.dma_semaphore, #tpu.memory_space<semaphore_mem>>) src(%dma_wait3A_54 : memref<8192x1024xf32, #tpu.memory_space<hbm>>) dst(%arg6 : memref<32x1024xf32, #tpu.memory_space<vmem>>)
      %mul3A_55 = arith.constant 32 : i32
      %mul3A_56 = arith.muli %add3A_48, %mul3A_55 : i32
      %add3A_57 = arith.addi %mul3A_2, %mul3A_56 : i32
      "tpu.region"() ({
        %run_scoped3A = tpu.sem_alloc : memref<!tpu.dma_semaphore, #tpu.memory_space<semaphore_mem>>
        %dma_start3A_102 = arith.constant 0 : i32
        %dma_start3A_103 = tpu.memref_slice %arg4[%add3A_57, %dma_start3A_102] : memref<32768x1024xf32, #tpu.memory_space<hbm>> -> memref<32x1024xf32, #tpu.memory_space<hbm>>
        %dma_start3A_104 = arith.constant 0 : i32
        %dma_start3A_105 = tpu.memref_slice %arg4[%add3A_57, %dma_start3A_104] : memref<32768x1024xf32, #tpu.memory_space<hbm>> -> memref<32x1024xf32, #tpu.memory_space<hbm>>
        tpu.enqueue_dma source(%arg6 : memref<32x1024xf32, #tpu.memory_space<vmem>>) target(%dma_start3A_105 : memref<32x1024xf32, #tpu.memory_space<hbm>>) target_semaphore(%run_scoped3A : memref<!tpu.dma_semaphore, #tpu.memory_space<semaphore_mem>>)
        %dma_wait3A_106 = arith.constant 0 : i32
        %dma_wait3A_107 = tpu.memref_slice %arg4[%add3A_57, %dma_wait3A_106] : memref<32768x1024xf32, #tpu.memory_space<hbm>> -> memref<32x1024xf32, #tpu.memory_space<hbm>>
        %dma_wait3A_108 = arith.constant 0 : i32
        %dma_wait3A_109 = tpu.memref_slice %arg4[%add3A_57, %dma_wait3A_108] : memref<32768x1024xf32, #tpu.memory_space<hbm>> -> memref<32x1024xf32, #tpu.memory_space<hbm>>
        tpu.wait_dma2 semaphore(%run_scoped3A : memref<!tpu.dma_semaphore, #tpu.memory_space<semaphore_mem>>) src(%arg6 : memref<32x1024xf32, #tpu.memory_space<vmem>>) dst(%dma_wait3A_109 : memref<32x1024xf32, #tpu.memory_space<hbm>>)
        tpu.yield
      }) : () -> ()
      %add3A_58 = arith.constant 3 : i32
      %add3A_59 = arith.addi %add3A_48, %add3A_58 : i32
      %lt3A = arith.constant 32 : i32
      %lt3A_60 = arith.cmpi slt, %add3A_59, %lt3A : i32
      %convert_element_type3A = arith.extui %lt3A_60 : i1 to i32
      %cond3A = arith.constant 0 : i32
      %cond3A_61 = arith.cmpi ne, %convert_element_type3A, %cond3A : i32
      scf.if %cond3A_61 {
        %add3A_102 = arith.constant 3 : i32
        %add3A_103 = arith.addi %add3A_48, %add3A_102 : i32
        %dma_start3A_104 = arith.constant 0 : i32
        %dma_start3A_105 = tpu.memref_slice %arg5[%add3A_103, %dma_start3A_104] : memref<32x32xi32, #tpu.memory_space<vmem>> -> memref<1x32xi32, #tpu.memory_space<vmem>>
        %dma_start3A_106 = tpu.memref_squeeze %dma_start3A_105 : memref<1x32xi32, #tpu.memory_space<vmem>> -> memref<32xi32, #tpu.memory_space<vmem>>
        %dma_start3A_107 = arith.constant 0 : i32
        %dma_start3A_108 = arith.constant 0 : i32
        %dma_start3A_109 = tpu.memref_slice %arg3[%dma_start3A_107, %dma_start3A_108] : memref<8192x1024xf32, #tpu.memory_space<hbm>> -> memref<8192x1024xf32, #tpu.memory_space<hbm>>
        tpu.enqueue_indirect_dma source(%dma_start3A_109 : memref<8192x1024xf32, #tpu.memory_space<hbm>>) target(%arg6 : memref<32x1024xf32, #tpu.memory_space<vmem>>) offsets(%dma_start3A_106 : memref<32xi32, #tpu.memory_space<vmem>>) semaphore(%arg9 : memref<!tpu.dma_semaphore, #tpu.memory_space<semaphore_mem>>)
      } else {
      }
      %mul3A_62 = arith.constant 3 : i32
      %mul3A_63 = arith.muli %mul3A_62, %scan3A_44 : i32
      %add3A_64 = arith.constant 1 : i32
      %add3A_65 = arith.addi %mul3A_63, %add3A_64 : i32
      %dma_wait3A_66 = arith.constant 0 : i32
      %dma_wait3A_67 = tpu.memref_slice %arg5[%add3A_65, %dma_wait3A_66] : memref<32x32xi32, #tpu.memory_space<vmem>> -> memref<1x32xi32, #tpu.memory_space<vmem>>
      %dma_wait3A_68 = tpu.memref_squeeze %dma_wait3A_67 : memref<1x32xi32, #tpu.memory_space<vmem>> -> memref<32xi32, #tpu.memory_space<vmem>>
      %dma_wait3A_69 = arith.constant 0 : i32
      %dma_wait3A_70 = arith.constant 0 : i32
      %dma_wait3A_71 = tpu.memref_slice %arg3[%dma_wait3A_69, %dma_wait3A_70] : memref<8192x1024xf32, #tpu.memory_space<hbm>> -> memref<8192x1024xf32, #tpu.memory_space<hbm>>
      tpu.wait_indirect_dma semaphore(%arg10 : memref<!tpu.dma_semaphore, #tpu.memory_space<semaphore_mem>>) src(%dma_wait3A_71 : memref<8192x1024xf32, #tpu.memory_space<hbm>>) dst(%arg7 : memref<32x1024xf32, #tpu.memory_space<vmem>>)
      %mul3A_72 = arith.constant 32 : i32
      %mul3A_73 = arith.muli %add3A_65, %mul3A_72 : i32
      %add3A_74 = arith.addi %mul3A_2, %mul3A_73 : i32
      "tpu.region"() ({
        %run_scoped3A = tpu.sem_alloc : memref<!tpu.dma_semaphore, #tpu.memory_space<semaphore_mem>>
        %dma_start3A_102 = arith.constant 0 : i32
        %dma_start3A_103 = tpu.memref_slice %arg4[%add3A_74, %dma_start3A_102] : memref<32768x1024xf32, #tpu.memory_space<hbm>> -> memref<32x1024xf32, #tpu.memory_space<hbm>>
        %dma_start3A_104 = arith.constant 0 : i32
        %dma_start3A_105 = tpu.memref_slice %arg4[%add3A_74, %dma_start3A_104] : memref<32768x1024xf32, #tpu.memory_space<hbm>> -> memref<32x1024xf32, #tpu.memory_space<hbm>>
        tpu.enqueue_dma source(%arg7 : memref<32x1024xf32, #tpu.memory_space<vmem>>) target(%dma_start3A_105 : memref<32x1024xf32, #tpu.memory_space<hbm>>) target_semaphore(%run_scoped3A : memref<!tpu.dma_semaphore, #tpu.memory_space<semaphore_mem>>)
        %dma_wait3A_106 = arith.constant 0 : i32
        %dma_wait3A_107 = tpu.memref_slice %arg4[%add3A_74, %dma_wait3A_106] : memref<32768x1024xf32, #tpu.memory_space<hbm>> -> memref<32x1024xf32, #tpu.memory_space<hbm>>
        %dma_wait3A_108 = arith.constant 0 : i32
        %dma_wait3A_109 = tpu.memref_slice %arg4[%add3A_74, %dma_wait3A_108] : memref<32768x1024xf32, #tpu.memory_space<hbm>> -> memref<32x1024xf32, #tpu.memory_space<hbm>>
        tpu.wait_dma2 semaphore(%run_scoped3A : memref<!tpu.dma_semaphore, #tpu.memory_space<semaphore_mem>>) src(%arg7 : memref<32x1024xf32, #tpu.memory_space<vmem>>) dst(%dma_wait3A_109 : memref<32x1024xf32, #tpu.memory_space<hbm>>)
        tpu.yield
      }) : () -> ()
      %add3A_75 = arith.constant 3 : i32
      %add3A_76 = arith.addi %add3A_65, %add3A_75 : i32
      %lt3A_77 = arith.constant 32 : i32
      %lt3A_78 = arith.cmpi slt, %add3A_76, %lt3A_77 : i32
      %convert_element_type3A_79 = arith.extui %lt3A_78 : i1 to i32
      %cond3A_80 = arith.constant 0 : i32
      %cond3A_81 = arith.cmpi ne, %convert_element_type3A_79, %cond3A_80 : i32
      scf.if %cond3A_81 {
        %add3A_102 = arith.constant 3 : i32
        %add3A_103 = arith.addi %add3A_65, %add3A_102 : i32
        %dma_start3A_104 = arith.constant 0 : i32
        %dma_start3A_105 = tpu.memref_slice %arg5[%add3A_103, %dma_start3A_104] : memref<32x32xi32, #tpu.memory_space<vmem>> -> memref<1x32xi32, #tpu.memory_space<vmem>>
        %dma_start3A_106 = tpu.memref_squeeze %dma_start3A_105 : memref<1x32xi32, #tpu.memory_space<vmem>> -> memref<32xi32, #tpu.memory_space<vmem>>
        %dma_start3A_107 = arith.constant 0 : i32
        %dma_start3A_108 = arith.constant 0 : i32
        %dma_start3A_109 = tpu.memref_slice %arg3[%dma_start3A_107, %dma_start3A_108] : memref<8192x1024xf32, #tpu.memory_space<hbm>> -> memref<8192x1024xf32, #tpu.memory_space<hbm>>
        tpu.enqueue_indirect_dma source(%dma_start3A_109 : memref<8192x1024xf32, #tpu.memory_space<hbm>>) target(%arg7 : memref<32x1024xf32, #tpu.memory_space<vmem>>) offsets(%dma_start3A_106 : memref<32xi32, #tpu.memory_space<vmem>>) semaphore(%arg10 : memref<!tpu.dma_semaphore, #tpu.memory_space<semaphore_mem>>)
      } else {
      }
      %mul3A_82 = arith.constant 3 : i32
      %mul3A_83 = arith.muli %mul3A_82, %scan3A_44 : i32
      %add3A_84 = arith.constant 2 : i32
      %add3A_85 = arith.addi %mul3A_83, %add3A_84 : i32
      %dma_wait3A_86 = arith.constant 0 : i32
      %dma_wait3A_87 = tpu.memref_slice %arg5[%add3A_85, %dma_wait3A_86] : memref<32x32xi32, #tpu.memory_space<vmem>> -> memref<1x32xi32, #tpu.memory_space<vmem>>
      %dma_wait3A_88 = tpu.memref_squeeze %dma_wait3A_87 : memref<1x32xi32, #tpu.memory_space<vmem>> -> memref<32xi32, #tpu.memory_space<vmem>>
      %dma_wait3A_89 = arith.constant 0 : i32
      %dma_wait3A_90 = arith.constant 0 : i32
      %dma_wait3A_91 = tpu.memref_slice %arg3[%dma_wait3A_89, %dma_wait3A_90] : memref<8192x1024xf32, #tpu.memory_space<hbm>> -> memref<8192x1024xf32, #tpu.memory_space<hbm>>
      tpu.wait_indirect_dma semaphore(%arg11 : memref<!tpu.dma_semaphore, #tpu.memory_space<semaphore_mem>>) src(%dma_wait3A_91 : memref<8192x1024xf32, #tpu.memory_space<hbm>>) dst(%arg8 : memref<32x1024xf32, #tpu.memory_space<vmem>>)
      %mul3A_92 = arith.constant 32 : i32
      %mul3A_93 = arith.muli %add3A_85, %mul3A_92 : i32
      %add3A_94 = arith.addi %mul3A_2, %mul3A_93 : i32
      "tpu.region"() ({
        %run_scoped3A = tpu.sem_alloc : memref<!tpu.dma_semaphore, #tpu.memory_space<semaphore_mem>>
        %dma_start3A_102 = arith.constant 0 : i32
        %dma_start3A_103 = tpu.memref_slice %arg4[%add3A_94, %dma_start3A_102] : memref<32768x1024xf32, #tpu.memory_space<hbm>> -> memref<32x1024xf32, #tpu.memory_space<hbm>>
        %dma_start3A_104 = arith.constant 0 : i32
        %dma_start3A_105 = tpu.memref_slice %arg4[%add3A_94, %dma_start3A_104] : memref<32768x1024xf32, #tpu.memory_space<hbm>> -> memref<32x1024xf32, #tpu.memory_space<hbm>>
        tpu.enqueue_dma source(%arg8 : memref<32x1024xf32, #tpu.memory_space<vmem>>) target(%dma_start3A_105 : memref<32x1024xf32, #tpu.memory_space<hbm>>) target_semaphore(%run_scoped3A : memref<!tpu.dma_semaphore, #tpu.memory_space<semaphore_mem>>)
        %dma_wait3A_106 = arith.constant 0 : i32
        %dma_wait3A_107 = tpu.memref_slice %arg4[%add3A_94, %dma_wait3A_106] : memref<32768x1024xf32, #tpu.memory_space<hbm>> -> memref<32x1024xf32, #tpu.memory_space<hbm>>
        %dma_wait3A_108 = arith.constant 0 : i32
        %dma_wait3A_109 = tpu.memref_slice %arg4[%add3A_94, %dma_wait3A_108] : memref<32768x1024xf32, #tpu.memory_space<hbm>> -> memref<32x1024xf32, #tpu.memory_space<hbm>>
        tpu.wait_dma2 semaphore(%run_scoped3A : memref<!tpu.dma_semaphore, #tpu.memory_space<semaphore_mem>>) src(%arg8 : memref<32x1024xf32, #tpu.memory_space<vmem>>) dst(%dma_wait3A_109 : memref<32x1024xf32, #tpu.memory_space<hbm>>)
        tpu.yield
      }) : () -> ()
      %add3A_95 = arith.constant 3 : i32
      %add3A_96 = arith.addi %add3A_85, %add3A_95 : i32
      %lt3A_97 = arith.constant 32 : i32
      %lt3A_98 = arith.cmpi slt, %add3A_96, %lt3A_97 : i32
      %convert_element_type3A_99 = arith.extui %lt3A_98 : i1 to i32
      %cond3A_100 = arith.constant 0 : i32
      %cond3A_101 = arith.cmpi ne, %convert_element_type3A_99, %cond3A_100 : i32
      scf.if %cond3A_101 {
        %add3A_102 = arith.constant 3 : i32
        %add3A_103 = arith.addi %add3A_85, %add3A_102 : i32
        %dma_start3A_104 = arith.constant 0 : i32
        %dma_start3A_105 = tpu.memref_slice %arg5[%add3A_103, %dma_start3A_104] : memref<32x32xi32, #tpu.memory_space<vmem>> -> memref<1x32xi32, #tpu.memory_space<vmem>>
        %dma_start3A_106 = tpu.memref_squeeze %dma_start3A_105 : memref<1x32xi32, #tpu.memory_space<vmem>> -> memref<32xi32, #tpu.memory_space<vmem>>
        %dma_start3A_107 = arith.constant 0 : i32
        %dma_start3A_108 = arith.constant 0 : i32
        %dma_start3A_109 = tpu.memref_slice %arg3[%dma_start3A_107, %dma_start3A_108] : memref<8192x1024xf32, #tpu.memory_space<hbm>> -> memref<8192x1024xf32, #tpu.memory_space<hbm>>
        tpu.enqueue_indirect_dma source(%dma_start3A_109 : memref<8192x1024xf32, #tpu.memory_space<hbm>>) target(%arg8 : memref<32x1024xf32, #tpu.memory_space<vmem>>) offsets(%dma_start3A_106 : memref<32xi32, #tpu.memory_space<vmem>>) semaphore(%arg11 : memref<!tpu.dma_semaphore, #tpu.memory_space<semaphore_mem>>)
      } else {
      }
    }
    %scan3A_26 = arith.constant 10 : i32
    %dma_wait3A = arith.constant 30 : i32
    %dma_wait3A_27 = arith.constant 0 : i32
    %dma_wait3A_28 = tpu.memref_slice %arg5[%dma_wait3A, %dma_wait3A_27] : memref<32x32xi32, #tpu.memory_space<vmem>> -> memref<1x32xi32, #tpu.memory_space<vmem>>
    %dma_wait3A_29 = tpu.memref_squeeze %dma_wait3A_28 : memref<1x32xi32, #tpu.memory_space<vmem>> -> memref<32xi32, #tpu.memory_space<vmem>>
    %dma_wait3A_30 = arith.constant 0 : i32
    %dma_wait3A_31 = arith.constant 0 : i32
    %dma_wait3A_32 = tpu.memref_slice %arg3[%dma_wait3A_30, %dma_wait3A_31] : memref<8192x1024xf32, #tpu.memory_space<hbm>> -> memref<8192x1024xf32, #tpu.memory_space<hbm>>
    tpu.wait_indirect_dma semaphore(%arg9 : memref<!tpu.dma_semaphore, #tpu.memory_space<semaphore_mem>>) src(%dma_wait3A_32 : memref<8192x1024xf32, #tpu.memory_space<hbm>>) dst(%arg6 : memref<32x1024xf32, #tpu.memory_space<vmem>>)
    %add3A_33 = arith.constant 960 : i32
    %add3A_34 = arith.addi %mul3A_2, %add3A_33 : i32
    "tpu.region"() ({
      %run_scoped3A = tpu.sem_alloc : memref<!tpu.dma_semaphore, #tpu.memory_space<semaphore_mem>>
      %dma_start3A_44 = arith.constant 0 : i32
      %dma_start3A_45 = tpu.memref_slice %arg4[%add3A_34, %dma_start3A_44] : memref<32768x1024xf32, #tpu.memory_space<hbm>> -> memref<32x1024xf32, #tpu.memory_space<hbm>>
      %dma_start3A_46 = arith.constant 0 : i32
      %dma_start3A_47 = tpu.memref_slice %arg4[%add3A_34, %dma_start3A_46] : memref<32768x1024xf32, #tpu.memory_space<hbm>> -> memref<32x1024xf32, #tpu.memory_space<hbm>>
      tpu.enqueue_dma source(%arg6 : memref<32x1024xf32, #tpu.memory_space<vmem>>) target(%dma_start3A_47 : memref<32x1024xf32, #tpu.memory_space<hbm>>) target_semaphore(%run_scoped3A : memref<!tpu.dma_semaphore, #tpu.memory_space<semaphore_mem>>)
      %dma_wait3A_48 = arith.constant 0 : i32
      %dma_wait3A_49 = tpu.memref_slice %arg4[%add3A_34, %dma_wait3A_48] : memref<32768x1024xf32, #tpu.memory_space<hbm>> -> memref<32x1024xf32, #tpu.memory_space<hbm>>
      %dma_wait3A_50 = arith.constant 0 : i32
      %dma_wait3A_51 = tpu.memref_slice %arg4[%add3A_34, %dma_wait3A_50] : memref<32768x1024xf32, #tpu.memory_space<hbm>> -> memref<32x1024xf32, #tpu.memory_space<hbm>>
      tpu.wait_dma2 semaphore(%run_scoped3A : memref<!tpu.dma_semaphore, #tpu.memory_space<semaphore_mem>>) src(%arg6 : memref<32x1024xf32, #tpu.memory_space<vmem>>) dst(%dma_wait3A_51 : memref<32x1024xf32, #tpu.memory_space<hbm>>)
      tpu.yield
    }) : () -> ()
    %dma_wait3A_35 = arith.constant 31 : i32
    %dma_wait3A_36 = arith.constant 0 : i32
    %dma_wait3A_37 = tpu.memref_slice %arg5[%dma_wait3A_35, %dma_wait3A_36] : memref<32x32xi32, #tpu.memory_space<vmem>> -> memref<1x32xi32, #tpu.memory_space<vmem>>
    %dma_wait3A_38 = tpu.memref_squeeze %dma_wait3A_37 : memref<1x32xi32, #tpu.memory_space<vmem>> -> memref<32xi32, #tpu.memory_space<vmem>>
    %dma_wait3A_39 = arith.constant 0 : i32
    %dma_wait3A_40 = arith.constant 0 : i32
    %dma_wait3A_41 = tpu.memref_slice %arg3[%dma_wait3A_39, %dma_wait3A_40] : memref<8192x1024xf32, #tpu.memory_space<hbm>> -> memref<8192x1024xf32, #tpu.memory_space<hbm>>
    tpu.wait_indirect_dma semaphore(%arg10 : memref<!tpu.dma_semaphore, #tpu.memory_space<semaphore_mem>>) src(%dma_wait3A_41 : memref<8192x1024xf32, #tpu.memory_space<hbm>>) dst(%arg7 : memref<32x1024xf32, #tpu.memory_space<vmem>>)
    %add3A_42 = arith.constant 992 : i32
    %add3A_43 = arith.addi %mul3A_2, %add3A_42 : i32
    "tpu.region"() ({
      %run_scoped3A = tpu.sem_alloc : memref<!tpu.dma_semaphore, #tpu.memory_space<semaphore_mem>>
      %dma_start3A_44 = arith.constant 0 : i32
      %dma_start3A_45 = tpu.memref_slice %arg4[%add3A_43, %dma_start3A_44] : memref<32768x1024xf32, #tpu.memory_space<hbm>> -> memref<32x1024xf32, #tpu.memory_space<hbm>>
      %dma_start3A_46 = arith.constant 0 : i32
      %dma_start3A_47 = tpu.memref_slice %arg4[%add3A_43, %dma_start3A_46] : memref<32768x1024xf32, #tpu.memory_space<hbm>> -> memref<32x1024xf32, #tpu.memory_space<hbm>>
      tpu.enqueue_dma source(%arg7 : memref<32x1024xf32, #tpu.memory_space<vmem>>) target(%dma_start3A_47 : memref<32x1024xf32, #tpu.memory_space<hbm>>) target_semaphore(%run_scoped3A : memref<!tpu.dma_semaphore, #tpu.memory_space<semaphore_mem>>)
      %dma_wait3A_48 = arith.constant 0 : i32
      %dma_wait3A_49 = tpu.memref_slice %arg4[%add3A_43, %dma_wait3A_48] : memref<32768x1024xf32, #tpu.memory_space<hbm>> -> memref<32x1024xf32, #tpu.memory_space<hbm>>
      %dma_wait3A_50 = arith.constant 0 : i32
      %dma_wait3A_51 = tpu.memref_slice %arg4[%add3A_43, %dma_wait3A_50] : memref<32768x1024xf32, #tpu.memory_space<hbm>> -> memref<32x1024xf32, #tpu.memory_space<hbm>>
      tpu.wait_dma2 semaphore(%run_scoped3A : memref<!tpu.dma_semaphore, #tpu.memory_space<semaphore_mem>>) src(%arg7 : memref<32x1024xf32, #tpu.memory_space<vmem>>) dst(%dma_wait3A_51 : memref<32x1024xf32, #tpu.memory_space<hbm>>)
      tpu.yield
    }) : () -> ()
    return
  }
}

</mosaic_0001>

<sc_bundles>
// kernel: kernel.3.cloned.1.call-start
scs
__scs_entry_jumppad:
0x0: {  	(pc) =	sbr.rel $0x88, $3  }
0x1: {  	(tag) =	ssettag $0x0;
	lr =	simm.s32 $0x1  }
0x2: {  	[smem:$0x3F9F] =	sst lr;
	_ =	strace $0xD0000000  }
0x3: {  	_ = 	snop  }
0x4: {  	_ = 	snop  }
0x5: {  	_ = 	snop  }
0x6: {  	_ = 	snop  }
0x7: {  	_ = 	snop  }
__scs_overlays_trampoline_lowered:
0x8: {  	[smem:$0x3FAE] =	sst s0  }
0x9: {  	[smem:$0x3FAF] =	sst s1  }
0xa: {  	[smem:$0x3FB0] =	sst s2  }
0xb: {  	[smem:$0x3FB1] =	sst s3  }
0xc: {  	[smem:$0x3FB2] =	sst s4  }
0xd: {  	[smem:$0x3FB3] =	sst s5  }
0xe: {  	[smem:$0x3FB4] =	sst s6  }
0xf: {  	[smem:$0x3FB5] =	sst s7  }
0x10: {  	[smem:$0x3FB6] =	sst s8  }
0x11: {  	[smem:$0x3FB7] =	sst s9;
	s0 =	simm.s32 @!p0 $0x0  }
0x12: {  	s1 =	sld [smem:$0x3F9D];
	s0 =	simm.s32 @p0 $0x1  }
0x13: {  	[smem:$0x3FB8] =	sst s0;
	s0 =	simm.s32 @!p1 $0x0  }
0x14: {  	s2 =	sld [smem:$0x3F9C];
	s0 =	simm.s32 @p1 $0x1  }
0x15: {  	[smem:$0x3FB9] =	sst s0;
	s0 =	simm.s32 @!p2 $0x0  }
0x16: {  	s3 =	sld [smem:$0x3FDB];
	s0 =	simm.s32 @p2 $0x1  }
0x17: {  	s4 =	simm.s32 $0x1BF5;
	[smem:$0x3FBB] =	sst s0  }
0x18: {  	s0 =	sld [smem:$0x3F9E];
	_ =	swait.ge [sflag:s4], $0x0  }
0x19: {  	s7 =	sld [smem:$0x3F9F]  }
0x1a: {  	s8 =	sadd.s32 $0xFFFFE003, lr  }
0x1b: {  	s9 =	sadd.s32 $0xFFFFFEF7, lr;
	s5 =	simm.s32 $0xFFFFFFFF;
	p2 =	slt.u32 s8, $0xFFFFF086  }
0x1c: {  	p1 =	slt.u32 s9, $0xF7A;
	s5 =	simm.s32 @!p2 $0x0  }
0x1d: {  	s5 =	simm.s32 @p1 $0x1;
	p0 =	seq.s32 s7, s2  }
0x1e: {  	s7 =	smul.u32 @!p0 $0xF7A, s2;
	p2 =	seq.s32 @!p0 s5, $0x0  }
0x1f: {  	s9 =	smul.u32 $0xF7A, s1;
	s8 =	simm.s32 @!p0 $0x1BF5;
	p2 =	por !p2, p0  }
0x20: {  	[sflag:s8] =	ssyncset.s32 @!p0 $0xFFFFF086;
	s6 =	sadd.s32 @!p0 s3, s7;
	s7 =	simm.s32 @!p0 $0x108  }
0x21: {  	s3 =	sadd.s32 s3, s9;
	s6 =	sadd.s32 @!p0 $0x88, s6;
	s7 =	simm.s32 @p2 $0x1082  }
0x22: {  	[simem:s7], [sflag:s8] =	dma.local @!p0 [hbm:s6], $0xF7A  }
0x23: {  	s9 =	sor.u32 $0xD0000000, s2;
	s6 =	simm.s32 $0x108;
	_ =	swait.ge @!p0 [sflag:s8], $0x0  }
0x24: {  	s3 =	sadd.s32 $0x88, s3;
	s6 =	simm.s32 @!p1 $0x1082;
	[sflag:s4] =	ssyncset.s32 $0xFFFFF086  }
0x25: {  	[simem:s6], [sflag:s4] =	dma.local [hbm:s3], $0xF7A  }
0x26: {  	[smem:$0x3F9F] =	sst s1;
	(tag) =	ssettag s2;
	_ =	strace s9  }
0x27: {  	s1 =	sld [smem:$0x3FAF]  }
0x28: {  	s2 =	sld [smem:$0x3FB0]  }
0x29: {  	s4 =	sld [smem:$0x3FB2]  }
0x2a: {  	p0 =	seq.s32 s5, $0x0;
	s5 =	sld [smem:$0x3FB3]  }
0x2b: {  	s6 =	sld [smem:$0x3FB4]  }
0x2c: {  	s7 =	sld [smem:$0x3FB5]  }
0x2d: {  	s3 =	simm.s32 $0x108;
	s8 =	sld [smem:$0x3FB6]  }
0x2e: {  	s3 =	simm.s32 @!p0 $0x1082;
	s9 =	sld [smem:$0x3FB7]  }
0x2f: {  	lr =	sadd.s32 s0, s3;
	s0 =	sld [smem:$0x3FAE]  }
0x30: {  	s3 =	sld [smem:$0x3FB1]  }
0x31: {  	[smem:$0x3FBA] =	sst s10  }
0x32: {  	s10 =	sld [smem:$0x3FB8];
	_ =	sdelay $0x3  }
0x33: {  	p0 =	seq.s32 s10, $0x1;
	s10 =	sld [smem:$0x3FBA];
	_ =	sdelay $0x3  }
0x34: {  	[smem:$0x3FBA] =	sst s10  }
0x35: {  	s10 =	sld [smem:$0x3FB9];
	_ =	sdelay $0x3  }
0x36: {  	p1 =	seq.s32 s10, $0x1;
	s10 =	sld [smem:$0x3FBA];
	_ =	sdelay $0x3  }
0x37: {  	[smem:$0x3FBA] =	sst s10  }
0x38: {  	s10 =	sld [smem:$0x3FBB]  }
0x39: {  	_ = 	snop;
	(pc) =	sbr.ind lr, $3  }
0x3a: {  	_ = 	snop  }
0x3b: {  	_ = 	snop  }
0x3c: {  	p2 =	seq.s32 s10, $0x1;
	s10 =	sld [smem:$0x3FBA]  }
0x3d: {  	_ =	shalt  }
0x3e: {  	_ =	shalt  }
0x3f: {  	_ =	shalt  }
0x40: {  	_ =	shalt  }
0x41: {  	_ =	shalt  }
0x42: {  	_ =	shalt  }
0x43: {  	_ =	shalt  }
0x44: {  	_ =	shalt  }
0x45: {  	_ =	shalt  }
0x46: {  	_ =	shalt  }
0x47: {  	_ =	shalt  }
0x48: {  	_ =	shalt  }
0x49: {  	_ =	shalt  }
0x4a: {  	_ =	shalt  }
0x4b: {  	_ =	shalt  }
0x4c: {  	_ =	shalt  }
0x4d: {  	_ =	shalt  }
0x4e: {  	_ =	shalt  }
0x4f: {  	_ =	shalt  }
0x50: {  	_ =	shalt  }
0x51: {  	_ =	shalt  }
0x52: {  	_ =	shalt  }
0x53: {  	_ =	shalt  }
0x54: {  	_ =	shalt  }
0x55: {  	_ =	shalt  }
0x56: {  	_ =	shalt  }
0x57: {  	_ =	shalt  }
0x58: {  	_ =	shalt  }
0x59: {  	_ =	shalt  }
0x5a: {  	_ =	shalt  }
0x5b: {  	_ =	shalt  }
0x5c: {  	_ =	shalt  }
0x5d: {  	_ =	shalt  }
0x5e: {  	_ =	shalt  }
0x5f: {  	_ =	shalt  }
0x60: {  	_ =	shalt  }
0x61: {  	_ =	shalt  }
0x62: {  	_ =	shalt  }
0x63: {  	_ =	shalt  }
0x64: {  	_ =	shalt  }
0x65: {  	_ =	shalt  }
0x66: {  	_ =	shalt  }
0x67: {  	_ =	shalt  }
0x68: {  	_ =	shalt  }
0x69: {  	_ =	shalt  }
0x6a: {  	_ =	shalt  }
0x6b: {  	_ =	shalt  }
0x6c: {  	_ =	shalt  }
0x6d: {  	_ =	shalt  }
0x6e: {  	_ =	shalt  }
0x6f: {  	_ =	shalt  }
0x70: {  	_ =	shalt  }
0x71: {  	_ =	shalt  }
0x72: {  	_ =	shalt  }
0x73: {  	_ =	shalt  }
0x74: {  	_ =	shalt  }
0x75: {  	_ =	shalt  }
0x76: {  	_ =	shalt  }
0x77: {  	_ =	shalt  }
0x78: {  	_ =	shalt  }
0x79: {  	_ =	shalt  }
0x7a: {  	_ =	shalt  }
0x7b: {  	_ =	shalt  }
0x7c: {  	_ =	shalt  }
0x7d: {  	_ =	shalt  }
0x7e: {  	_ =	shalt  }
0x7f: {  	_ =	shalt  }
0x80: {  	_ =	shalt  }
0x81: {  	_ =	shalt  }
0x82: {  	_ =	shalt  }
0x83: {  	_ =	shalt  }
0x84: {  	_ =	shalt  }
0x85: {  	_ =	shalt  }
0x86: {  	_ =	shalt  }
0x87: {  	_ =	shalt  }
.Lfunc_end0:
.L_simem_size_0:
called_computation_lowered:
.L_overlay_start_0:
0x88: {  	s2 =	sld [smem:$0x3FD9]  }
0x89: {  	s3 =	sld [smem:$0x3FFE];
	_ =	sdelay $0x1  }
0x8a: {  	s1 =	srdreg.scid  }
0x8b: {  	s0 =	sand.u32 $0x1, s1  }
0x8c: {  	s17 =	sshll.u32 s0, $0xA;
	s2 =	sadd.s32 s3, s2  }
0x8d: {  	s2 =	sadd.s32 s2, s17  }
0x8e: {  	[smem:$0x3FC6] =	sst s2  }
0x8f: {  	_ = 	snop  }
0x90: {  	s2 =	sld [smem:$0x3FC8]  }
0x91: {  	s18 =	sld [smem:$0x3FD0];
	(tm) =	ssettm $0x1  }
0x92: {  	s4 =	sld [smem:$0x3FFB];
	_ =	sdelay $0x3  }
0x93: {  	_ =	strace s4  }
0x94: {  	s4 =	sld [smem:$0x3FFC];
	_ =	sdelay $0x3  }
0x95: {  	_ =	strace s4  }
0x96: {  	s4 =	sld [smem:$0x3FFD];
	_ =	sdelay $0x3  }
0x97: {  	_ =	strace s4  }
0x98: {  	_ =	strace $0x8FFFFFFF  }
0x99: {  	s19 =	sld [smem:$0x3FDB];
	_ =	sdelay $0x1  }
0x9a: {  	s5 =	simm.s32 $_scs_section_size  }
0x9b: {  	s6 =	simm.s32 $_size__tile_overlayer_lowered;
	s7 =	simm.s32 $_tile_overlayer_lowered  }
0x9c: {  	s22 =	simm.s32 $0x1BFF;
	s21 =	sshll.u32 s7, $0x1;
	s4 =	sadd.s32 s5, s19  }
0x9d: {  	s8 =	simm.s32 $0x0;
	s20 =	sshll.u32 s6, $0x1;
	s6 =	sadd.s32 s21, s4  }
0x9e: {  	[timem:s8], [sflag:s22] =	dma.local [hbm:s6], s20  }
0x9f: {  	_ =	swait.ge [sflag:s22], s20  }
0xa0: {  	s5 =	ssub.s32 $0x0, s20;
	[sflag:s22] =	ssyncset.done $0x0  }
0xa1: {  	[sflag:s22] =	ssyncadd.s32 s5;
	_ =	sdelay $0x1  }
0xa2: {  	s23 =	simm.s32 $0x1B8B  }
0xa3: {  	_ =	swait.ge [sflag:s23], $0x1  }
0xa4: {  	[sflag:s23] =	ssyncset.done $0x0  }
0xa5: {  	s25 =	simm.s32 $0x1B8E;
	s24 =	sld [smem:$0x3FFE];
	[sflag:s23] =	ssyncadd.s32 $0xFFFFFFFF  }
0xa6: {  	s26 =	simm.s32 $execute0_lowered;
	[smem:$0x3FD2] =	sst s25  }
0xa7: {  	s6 =	sshll.u32 s26, $0x1;
	_ =	strace $0x80000046;
	[dreg:$0x1] =	wrdreg $0xFFFFFFFF  }
0xa8: {  	s28 =	simm.s32 $_size_execute0_lowered;
	s4 =	sadd.s32 s4, s6;
	[dreg:$0x0] =	wrdreg $0x0  }
0xa9: {  	s6 =	sshll.u32 s28, $0x1;
	[dreg:$0x2] =	wrdreg s4  }
0xaa: {  	[dreg:$0x3] =	wrdreg s6  }
0xab: {  	[dreg:$0x4] =	wrdreg $0xC0  }
0xac: {  	_ =	task [dreg:s8], $0x5FFFF  }
0xad: {  	[dreg:$0x1] =	wrdreg $0xFFFFFFFF  }
0xae: {  	[dreg:$0x0] =	wrdreg $0x60  }
0xaf: {  	[dreg:$0x2] =	wrdreg s24  }
0xb0: {  	[dreg:$0x3] =	wrdreg s2  }
0xb1: {  	[dreg:$0x4] =	wrdreg s18  }
0xb2: {  	[dreg:$0x5] =	wrdreg $0x9  }
0xb3: {  	_ =	task.clear_ibuf [dreg:s8], $0x6FFFF;
	_ =	strace $0x90000046  }
0xb4: {  	s29 =	simm.s32 $0x9;
	_ =	strace $0x80000048  }
0xb5: {  	_ =	swait.ge [sflag:s29], $0x1  }
0xb6: {  	[sflag:s29] =	ssyncadd.s32 $0xFFFFFFFF  }
0xb7: {  	_ =	strace $0x90000048  }
0xb8: {  	_ =	sfence  }
0xb9: {  	s30 =	sld [smem:$0x0];
	_ =	sdelay $0x2  }
0xba: {  	s31 =	sshll.u32 s1, $0xD;
	s1 =	sshrl.u32 s1, $0x2  }
0xbb: {  	s3 =	sand.u32 $0x4000, s31;
	s1 =	sadd.s32 s1, s30  }
0xbc: {  	s0 =	sor.u32 s3, s0;
	s1 =	sshll.u32 s1, $0x11  }
0xbd: {  	s0 =	sor.u32 s1, s0  }
0xbe: {  	s0 =	sadd.s32 $0x8F2B, s0  }
0xbf: {  	[sflag:s0] =	ssyncadd.remote.s32 $0x1  }
0xc0: {  	_ =	sfence.sel $0xFFFF  }
0xc1: {  	[dreg:$0x0] =	wrdreg $0xFFFFFFFF;
	(pc) =	sbr.abs _section_cstart, $3  }
0xc2: {  	[dreg:$0x1] =	wrdreg $0xFFFFFFFF  }
0xc3: {  	_ =	task.clear_ibuf [dreg:s8], $0x2FFFF;
	_ =	strace $0x9FFFFFFF  }
0xc4: {  	(tm) =	ssettm $0x7FFFFFFF  }
0xc5: {  	_ =	shalt  }
tec
execute0_lowered:
.L_overlay_start_1:
0x0: {  	(tag) =	ssettag $0x1  }
0x1: {  	s0 =	rddreg [dreg:$0x0]  }
0x2: {  	s2 =	rddreg [dreg:$0x1]  }
0x3: {  	s1 =	rddreg [dreg:$0x2]  }
0x4: {  	s3 =	srdreg.scid;
	s9 =	stileid.u32  }
0x5: {  	s12 =	simm.s32 $0x4;
	s13 =	simm.s32 $0x1000;
	s30 =	simm.s32 $0x9000  }
0x6: {  	s18 =	simm.s32 $0xF000;
	s19 =	simm.s32 $0xF800;
	s20 =	simm.s32 $0x10000  }
0x7: {  	s21 =	simm.s32 $0x10800;
	s22 =	simm.s32 $0x11000;
	s29 =	simm.s32 $0x14000  }
0x8: {  	s31 =	simm.s32 $0x14800;
	s23 =	simm.s32 $0x18000;
	s14 =	simm.s32 $0x18800  }
0x9: {  	s15 =	simm.s32 $0x2;
	s17 =	simm.s32 $0x0;
	s4 =	sand.u32 $0x1, s3  }
0xa: {  	s5 =	sshll.u32 s9, $0x1;
	s3 =	simm.s32 $0x0;
	s26 =	sshll.u32 s9, $0x12  }
0xb: {  	s9 =	simm.s32 $0x17000;
	s6 =	sor.u32 s4, s5;
	s24 =	ssub.s32 $0x2, s4  }
0xc: {  	[smem:$0x7FF] =	sst s3;
	s5 =	sadd.s32 $0x100, s2;
	s28 =	sshll.u32 s4, $0x11  }
0xd: {  	s4 =	simm.s32 $0x16000;
	s7 =	sshll.u32 s6, $0x9;
	s8 =	sshrl.u32 s24, $0x1  }
0xe: {  	_ =	strace $0x80000047;
	s25 =	sshll.u32 s6, $0x11;
	s6 =	sadd.s32 $0x200, s2  }
0xf: {  	s0 =	sadd.s32 s7, s0;
	s8 =	ssub.s32 s24, s8;
	s7 =	sadd.s32 $0x300, s2  }
0x10: {  	s24 =	simm.s32 $0x1;
	s0 =	sadd.s32 $0x400, s0;
	s8 =	smax.u32 s8, $0x1  }
.Ltmp0:
0x11: {  	[dreg:$0x4] =	wrdreg s0;
	s0 =	sadd.s32 s25, s1;
	(pc) =	sbr.rel .LBB2_1-.Ltmp0, $4  }
0x12: {  	[dreg:$0x7] =	wrdreg s8;
	s8 =	simm.s32 $0x16800;
	s10 =	sadd.s32 $0x1E000, s0  }
0x13: {  	v2 =	vlaneseq.u32;
	s25 =	simm.s32 $0x3;
	s0 =	sadd.s32 $0x1F000, s0;
	[dreg:$0x5] =	wrdreg s10  }
0x14: {  	vm0 =	vmmov $0xffff;
	v1 =	vshrl.u32 v2, $0x3;
	[dreg:$0x6] =	wrdreg s0;
	s0 =	sadd.s32 s26, s1;
	s1 =	simm.s32 $0x15800  }
0x15: {  	v0 =	vand.u32 $0x7, v2;
	v2 =	vor.u32 $0x8, v2;
	v1 =	vmul.u32 $0x8, v1;
	s10 =	simm.s32 $0x17800;
	s11 =	sadd.s32 s28, s0;
	s0 =	simm.s32 $0x15000  }
.LBB2_4:
0x16: {  	_ =	swait.ge [sflag:s24], $0x8000  }
0x17: {  	[sflag:s24] =	ssyncset.done $0x0  }
0x18: {  	s16 =	rddreg [dreg:$0x5];
	[sflag:s24] =	ssyncadd.s32 $0xFFFF8000  }
0x19: {  	[hbm4b:s16+s3] =	stream.linear.scatter [tilespmem:s13], [sflag:$0x4], $0x8000, $0x38;
	[tilespmem:$0x19000] =	vst v63  }
0x1a: {  	_ =	swait.ge [sflag:s12], $0x8000  }
0x1b: {  	[sflag:s12] =	ssyncset.done $0x0  }
0x1c: {  	[sflag:s12] =	ssyncadd.s32 $0xFFFF8000  }
0x1d: {  	_ =	swait.ge [sflag:s15], $0x8000  }
0x1e: {  	[sflag:s15] =	ssyncset.done $0x0  }
0x1f: {  	s26 =	rddreg [dreg:$0x6];
	[sflag:s15] =	ssyncadd.s32 $0xFFFF8000  }
0x20: {  	[hbm4b:s26+s3] =	stream.linear.scatter [tilespmem:s30], [sflag:$0x4], $0x8000, $0x38;
	[tilespmem:$0x19000] =	vst v63  }
0x21: {  	_ =	swait.ge [sflag:s12], $0x8000  }
0x22: {  	s17 =	rddreg [dreg:$0x8]  }
0x23: {  	s28 =	rddreg [dreg:$0x7];
	s17 =	sadd.s32 $0x1, s17  }
0x24: {  	p0 =	sne.s32 s17, s28  }
.Ltmp1:
0x25: {  	_ = 	snop;
	(pc) =	sbr.rel @!p0 .LBB2_5-.Ltmp1, $3  }
0x26: {  	_ =	sdelay $0x1  }
0x27: {  	[sflag:s12] =	ssyncset.done $0x0  }
0x28: {  	[sflag:s12] =	ssyncadd.s32 $0xFFFF8000  }
.LBB2_1:
0x29: {  	[dreg:$0x8] =	wrdreg s17  }
0x2a: {  	s16 =	rddreg [dreg:$0x4]  }
0x2b: {  	[tilespmem:s3], [sflag:$0x4] =	stream.linear.gather [hbm4b:s16+s3], $0x1000, $0x38;
	[tilespmem:$0x19000] =	vst v63  }
0x2c: {  	_ =	swait.ge [sflag:s12], $0x1000  }
0x2d: {  	[sflag:s12] =	ssyncset.done $0x0  }
0x2e: {  	[sflag:s12] =	ssyncadd.s32 $0xFFFFF000  }
0x2f: {  	v3 =	vld [tilespmem:$0x0];
	_ =	sdelay $0x4  }
0x30: {  	v4 =	vshll.u32 v3, $0x3  }
0x31: {  	v3 =	vand.u32 $0x7, v3;
	v4 =	vand.u32 $0xFFFFFFC0, v4  }
0x32: {  	v3 =	vor.u32 v3, v4  }
0x33: {  	v4 =	vperm.xlane v3, v0;
	_ =	sdelay $0x1  }
0x34: {  	v4 =	vadd.s32 v1, v4;
	_ =	sdelay $0x4  }
0x35: {  	[tilespmem:s13], [sflag:$0x1] =	stream.indirect_vreg.gather [hbm4b:s2+s3], $0x80, v4, vm0, $0xb8;
	[tilespmem:$0x19000] =	vst v63  }
0x36: {  	s28 =	simm.s32 $0x1800;
	v3 =	vperm.xlane v3, v2  }
0x37: {  	[tilespmem:s28], [sflag:$0x1] =	stream.indirect_vreg.gather [hbm4b:s5+s3], $0x80, v4, vm0, $0xb8;
	[tilespmem:$0x19000] =	vst v63  }
0x38: {  	s17 =	simm.s32 $0x2000;
	v3 =	vadd.s32 v1, v3  }
0x39: {  	[tilespmem:s17], [sflag:$0x1] =	stream.indirect_vreg.gather [hbm4b:s6+s3], $0x80, v4, vm0, $0xb8;
	[tilespmem:$0x19000] =	vst v63  }
0x3a: {  	s26 =	simm.s32 $0x2800  }
0x3b: {  	[tilespmem:s26], [sflag:$0x1] =	stream.indirect_vreg.gather [hbm4b:s7+s3], $0x80, v4, vm0, $0xb8;
	[tilespmem:$0x19000] =	vst v63  }
0x3c: {  	s28 =	simm.s32 $0x3000  }
0x3d: {  	[tilespmem:s28], [sflag:$0x1] =	stream.indirect_vreg.gather [hbm4b:s2+s3], $0x80, v3, vm0, $0xb8;
	[tilespmem:$0x19000] =	vst v63  }
0x3e: {  	s17 =	simm.s32 $0x3800  }
0x3f: {  	[tilespmem:s17], [sflag:$0x1] =	stream.indirect_vreg.gather [hbm4b:s5+s3], $0x80, v3, vm0, $0xb8;
	[tilespmem:$0x19000] =	vst v63  }
0x40: {  	s26 =	simm.s32 $0x4000  }
0x41: {  	[tilespmem:s26], [sflag:$0x1] =	stream.indirect_vreg.gather [hbm4b:s6+s3], $0x80, v3, vm0, $0xb8;
	[tilespmem:$0x19000] =	vst v63  }
0x42: {  	s28 =	simm.s32 $0x4800  }
0x43: {  	[tilespmem:s28], [sflag:$0x1] =	stream.indirect_vreg.gather [hbm4b:s7+s3], $0x80, v3, vm0, $0xb8;
	[tilespmem:$0x19000] =	vst v63  }
0x44: {  	v3 =	vld [tilespmem:$0x10];
	_ =	sdelay $0x4  }
0x45: {  	v59 =	vshll.u32 v3, $0x3  }
0x46: {  	v3 =	vand.u32 $0x7, v3;
	v4 =	vand.u32 $0xFFFFFFC0, v59  }
0x47: {  	v3 =	vor.u32 v3, v4  }
0x48: {  	v4 =	vperm.xlane v3, v0;
	_ =	sdelay $0x1  }
0x49: {  	v4 =	vadd.s32 v1, v4;
	_ =	sdelay $0x3  }
0x4a: {  	s17 =	simm.s32 $0x5000  }
0x4b: {  	[tilespmem:s17], [sflag:$0x1] =	stream.indirect_vreg.gather [hbm4b:s2+s3], $0x80, v4, vm0, $0xb8;
	[tilespmem:$0x19000] =	vst v63  }
0x4c: {  	s26 =	simm.s32 $0x5800;
	v3 =	vperm.xlane v3, v2  }
0x4d: {  	[tilespmem:s26], [sflag:$0x1] =	stream.indirect_vreg.gather [hbm4b:s5+s3], $0x80, v4, vm0, $0xb8;
	[tilespmem:$0x19000] =	vst v63  }
0x4e: {  	s28 =	simm.s32 $0x6000;
	v3 =	vadd.s32 v1, v3  }
0x4f: {  	[tilespmem:s28], [sflag:$0x1] =	stream.indirect_vreg.gather [hbm4b:s6+s3], $0x80, v4, vm0, $0xb8;
	[tilespmem:$0x19000] =	vst v63  }
0x50: {  	s17 =	simm.s32 $0x6800  }
0x51: {  	[tilespmem:s17], [sflag:$0x1] =	stream.indirect_vreg.gather [hbm4b:s7+s3], $0x80, v4, vm0, $0xb8;
	[tilespmem:$0x19000] =	vst v63  }
0x52: {  	s26 =	simm.s32 $0x7000  }
0x53: {  	[tilespmem:s26], [sflag:$0x1] =	stream.indirect_vreg.gather [hbm4b:s2+s3], $0x80, v3, vm0, $0xb8;
	[tilespmem:$0x19000] =	vst v63  }
0x54: {  	s28 =	simm.s32 $0x7800  }
0x55: {  	[tilespmem:s28], [sflag:$0x1] =	stream.indirect_vreg.gather [hbm4b:s5+s3], $0x80, v3, vm0, $0xb8;
	[tilespmem:$0x19000] =	vst v63  }
0x56: {  	s17 =	simm.s32 $0x8000  }
0x57: {  	[tilespmem:s17], [sflag:$0x1] =	stream.indirect_vreg.gather [hbm4b:s6+s3], $0x80, v3, vm0, $0xb8;
	[tilespmem:$0x19000] =	vst v63  }
0x58: {  	s26 =	simm.s32 $0x8800  }
0x59: {  	[tilespmem:s26], [sflag:$0x1] =	stream.indirect_vreg.gather [hbm4b:s7+s3], $0x80, v3, vm0, $0xb8;
	[tilespmem:$0x19000] =	vst v63  }
0x5a: {  	v3 =	vld [tilespmem:$0x80];
	_ =	sdelay $0x4  }
0x5b: {  	v60 =	vshll.u32 v3, $0x3  }
0x5c: {  	v3 =	vand.u32 $0x7, v3;
	v4 =	vand.u32 $0xFFFFFFC0, v60  }
0x5d: {  	v3 =	vor.u32 v3, v4  }
0x5e: {  	v4 =	vperm.xlane v3, v0;
	_ =	sdelay $0x1  }
0x5f: {  	v4 =	vadd.s32 v1, v4;
	_ =	sdelay $0x4  }
0x60: {  	[tilespmem:s30], [sflag:$0x2] =	stream.indirect_vreg.gather [hbm4b:s2+s3], $0x80, v4, vm0, $0xb8;
	[tilespmem:$0x19000] =	vst v63  }
0x61: {  	s28 =	simm.s32 $0x9800;
	v3 =	vperm.xlane v3, v2  }
0x62: {  	[tilespmem:s28], [sflag:$0x2] =	stream.indirect_vreg.gather [hbm4b:s5+s3], $0x80, v4, vm0, $0xb8;
	[tilespmem:$0x19000] =	vst v63  }
0x63: {  	s17 =	simm.s32 $0xA000;
	v3 =	vadd.s32 v1, v3  }
0x64: {  	[tilespmem:s17], [sflag:$0x2] =	stream.indirect_vreg.gather [hbm4b:s6+s3], $0x80, v4, vm0, $0xb8;
	[tilespmem:$0x19000] =	vst v63  }
0x65: {  	s26 =	simm.s32 $0xA800  }
0x66: {  	[tilespmem:s26], [sflag:$0x2] =	stream.indirect_vreg.gather [hbm4b:s7+s3], $0x80, v4, vm0, $0xb8;
	[tilespmem:$0x19000] =	vst v63  }
0x67: {  	s28 =	simm.s32 $0xB000  }
0x68: {  	[tilespmem:s28], [sflag:$0x2] =	stream.indirect_vreg.gather [hbm4b:s2+s3], $0x80, v3, vm0, $0xb8;
	[tilespmem:$0x19000] =	vst v63  }
0x69: {  	s17 =	simm.s32 $0xB800  }
0x6a: {  	[tilespmem:s17], [sflag:$0x2] =	stream.indirect_vreg.gather [hbm4b:s5+s3], $0x80, v3, vm0, $0xb8;
	[tilespmem:$0x19000] =	vst v63  }
0x6b: {  	s26 =	simm.s32 $0xC000  }
0x6c: {  	[tilespmem:s26], [sflag:$0x2] =	stream.indirect_vreg.gather [hbm4b:s6+s3], $0x80, v3, vm0, $0xb8;
	[tilespmem:$0x19000] =	vst v63  }
0x6d: {  	s28 =	simm.s32 $0xC800  }
0x6e: {  	[tilespmem:s28], [sflag:$0x2] =	stream.indirect_vreg.gather [hbm4b:s7+s3], $0x80, v3, vm0, $0xb8;
	[tilespmem:$0x19000] =	vst v63  }
0x6f: {  	v3 =	vld [tilespmem:$0x90];
	_ =	sdelay $0x4  }
0x70: {  	v61 =	vshll.u32 v3, $0x3  }
0x71: {  	v3 =	vand.u32 $0x7, v3;
	v4 =	vand.u32 $0xFFFFFFC0, v61  }
0x72: {  	v3 =	vor.u32 v3, v4  }
0x73: {  	v4 =	vperm.xlane v3, v0;
	_ =	sdelay $0x1  }
0x74: {  	v4 =	vadd.s32 v1, v4;
	_ =	sdelay $0x3  }
0x75: {  	s17 =	simm.s32 $0xD000  }
0x76: {  	[tilespmem:s17], [sflag:$0x2] =	stream.indirect_vreg.gather [hbm4b:s2+s3], $0x80, v4, vm0, $0xb8;
	[tilespmem:$0x19000] =	vst v63  }
0x77: {  	s26 =	simm.s32 $0xD800;
	v3 =	vperm.xlane v3, v2  }
0x78: {  	[tilespmem:s26], [sflag:$0x2] =	stream.indirect_vreg.gather [hbm4b:s5+s3], $0x80, v4, vm0, $0xb8;
	[tilespmem:$0x19000] =	vst v63  }
0x79: {  	s28 =	simm.s32 $0xE000;
	v3 =	vadd.s32 v1, v3  }
0x7a: {  	[tilespmem:s28], [sflag:$0x2] =	stream.indirect_vreg.gather [hbm4b:s6+s3], $0x80, v4, vm0, $0xb8;
	[tilespmem:$0x19000] =	vst v63  }
0x7b: {  	s17 =	simm.s32 $0xE800  }
0x7c: {  	[tilespmem:s17], [sflag:$0x2] =	stream.indirect_vreg.gather [hbm4b:s7+s3], $0x80, v4, vm0, $0xb8;
	[tilespmem:$0x19000] =	vst v63  }
0x7d: {  	_ = 	snop  }
0x7e: {  	[tilespmem:s18], [sflag:$0x2] =	stream.indirect_vreg.gather [hbm4b:s2+s3], $0x80, v3, vm0, $0xb8;
	[tilespmem:$0x19000] =	vst v63  }
0x7f: {  	_ = 	snop  }
0x80: {  	[tilespmem:s19], [sflag:$0x2] =	stream.indirect_vreg.gather [hbm4b:s5+s3], $0x80, v3, vm0, $0xb8;
	[tilespmem:$0x19000] =	vst v63  }
0x81: {  	_ = 	snop  }
0x82: {  	[tilespmem:s20], [sflag:$0x2] =	stream.indirect_vreg.gather [hbm4b:s6+s3], $0x80, v3, vm0, $0xb8;
	[tilespmem:$0x19000] =	vst v63  }
0x83: {  	_ = 	snop  }
0x84: {  	[tilespmem:s21], [sflag:$0x2] =	stream.indirect_vreg.gather [hbm4b:s7+s3], $0x80, v3, vm0, $0xb8;
	[tilespmem:$0x19000] =	vst v63  }
0x85: {  	v3 =	vld [tilespmem:$0x100];
	_ =	sdelay $0x4  }
0x86: {  	v62 =	vshll.u32 v3, $0x3  }
0x87: {  	v3 =	vand.u32 $0x7, v3;
	v4 =	vand.u32 $0xFFFFFFC0, v62  }
0x88: {  	v3 =	vor.u32 v3, v4  }
0x89: {  	v4 =	vperm.xlane v3, v0;
	_ =	sdelay $0x1  }
0x8a: {  	v4 =	vadd.s32 v1, v4;
	_ =	sdelay $0x4  }
0x8b: {  	[tilespmem:s22], [sflag:$0x3] =	stream.indirect_vreg.gather [hbm4b:s2+s3], $0x80, v4, vm0, $0xb8;
	[tilespmem:$0x19000] =	vst v63  }
0x8c: {  	s26 =	simm.s32 $0x11800;
	v3 =	vperm.xlane v3, v2  }
0x8d: {  	[tilespmem:s26], [sflag:$0x3] =	stream.indirect_vreg.gather [hbm4b:s5+s3], $0x80, v4, vm0, $0xb8;
	[tilespmem:$0x19000] =	vst v63  }
0x8e: {  	s28 =	simm.s32 $0x12000;
	v3 =	vadd.s32 v1, v3  }
0x8f: {  	[tilespmem:s28], [sflag:$0x3] =	stream.indirect_vreg.gather [hbm4b:s6+s3], $0x80, v4, vm0, $0xb8;
	[tilespmem:$0x19000] =	vst v63  }
0x90: {  	s17 =	simm.s32 $0x12800  }
0x91: {  	[tilespmem:s17], [sflag:$0x3] =	stream.indirect_vreg.gather [hbm4b:s7+s3], $0x80, v4, vm0, $0xb8;
	[tilespmem:$0x19000] =	vst v63  }
0x92: {  	s26 =	simm.s32 $0x13000  }
0x93: {  	[tilespmem:s26], [sflag:$0x3] =	stream.indirect_vreg.gather [hbm4b:s2+s3], $0x80, v3, vm0, $0xb8;
	[tilespmem:$0x19000] =	vst v63  }
0x94: {  	s28 =	simm.s32 $0x13800  }
0x95: {  	[tilespmem:s28], [sflag:$0x3] =	stream.indirect_vreg.gather [hbm4b:s5+s3], $0x80, v3, vm0, $0xb8;
	[tilespmem:$0x19000] =	vst v63  }
0x96: {  	_ = 	snop  }
0x97: {  	[tilespmem:s29], [sflag:$0x3] =	stream.indirect_vreg.gather [hbm4b:s6+s3], $0x80, v3, vm0, $0xb8;
	[tilespmem:$0x19000] =	vst v63  }
0x98: {  	_ = 	snop  }
0x99: {  	[tilespmem:s31], [sflag:$0x3] =	stream.indirect_vreg.gather [hbm4b:s7+s3], $0x80, v3, vm0, $0xb8;
	[tilespmem:$0x19000] =	vst v63  }
0x9a: {  	v3 =	vld [tilespmem:$0x110];
	_ =	sdelay $0x4  }
0x9b: {  	v63 =	vshll.u32 v3, $0x3  }
0x9c: {  	v3 =	vand.u32 $0x7, v3;
	v4 =	vand.u32 $0xFFFFFFC0, v63  }
0x9d: {  	v3 =	vor.u32 v3, v4  }
0x9e: {  	v4 =	vperm.xlane v3, v0;
	_ =	sdelay $0x1  }
0x9f: {  	v4 =	vadd.s32 v1, v4;
	_ =	sdelay $0x4  }
0xa0: {  	[tilespmem:s0], [sflag:$0x3] =	stream.indirect_vreg.gather [hbm4b:s2+s3], $0x80, v4, vm0, $0xb8;
	[tilespmem:$0x19000] =	vst v63  }
0xa1: {  	v3 =	vperm.xlane v3, v2  }
0xa2: {  	[tilespmem:s1], [sflag:$0x3] =	stream.indirect_vreg.gather [hbm4b:s5+s3], $0x80, v4, vm0, $0xb8;
	[tilespmem:$0x19000] =	vst v63  }
0xa3: {  	v3 =	vadd.s32 v1, v3  }
0xa4: {  	[tilespmem:s4], [sflag:$0x3] =	stream.indirect_vreg.gather [hbm4b:s6+s3], $0x80, v4, vm0, $0xb8;
	[tilespmem:$0x19000] =	vst v63  }
0xa5: {  	_ = 	snop  }
0xa6: {  	[tilespmem:s8], [sflag:$0x3] =	stream.indirect_vreg.gather [hbm4b:s7+s3], $0x80, v4, vm0, $0xb8;
	[tilespmem:$0x19000] =	vst v63  }
0xa7: {  	_ = 	snop  }
0xa8: {  	[tilespmem:s9], [sflag:$0x3] =	stream.indirect_vreg.gather [hbm4b:s2+s3], $0x80, v3, vm0, $0xb8;
	[tilespmem:$0x19000] =	vst v63  }
0xa9: {  	_ = 	snop  }
0xaa: {  	[tilespmem:s10], [sflag:$0x3] =	stream.indirect_vreg.gather [hbm4b:s5+s3], $0x80, v3, vm0, $0xb8;
	[tilespmem:$0x19000] =	vst v63  }
0xab: {  	_ = 	snop  }
0xac: {  	[tilespmem:s23], [sflag:$0x3] =	stream.indirect_vreg.gather [hbm4b:s6+s3], $0x80, v3, vm0, $0xb8;
	[tilespmem:$0x19000] =	vst v63  }
0xad: {  	s16 =	simm.s32 $0x290;
	s26 =	simm.s32 $0x0  }
0xae: {  	[tilespmem:s14], [sflag:$0x3] =	stream.indirect_vreg.gather [hbm4b:s7+s3], $0x80, v3, vm0, $0xb8;
	[tilespmem:$0x19000] =	vst v63  }
.LBB2_2:
0xaf: {  	_ =	swait.ge [sflag:s24], $0x8000  }
0xb0: {  	[sflag:s24] =	ssyncset.done $0x0  }
0xb1: {  	s17 =	sadd.s32 s26, s11;
	[sflag:s24] =	ssyncadd.s32 $0xFFFF8000  }
0xb2: {  	[hbm4b:s17+s3] =	stream.linear.scatter [tilespmem:s13], [sflag:$0x4], $0x8000, $0x38;
	[tilespmem:$0x19000] =	vst v63  }
0xb3: {  	_ =	swait.ge [sflag:s12], $0x8000  }
0xb4: {  	[sflag:s12] =	ssyncset.done $0x0  }
0xb5: {  	[sflag:s12] =	ssyncadd.s32 $0xFFFF8000  }
0xb6: {  	v3 =	vld [tilespmem:s16+$0xFFFFFEF0];
	_ =	sdelay $0x4  }
0xb7: {  	v4 =	vshll.u32 v3, $0x3  }
0xb8: {  	v3 =	vand.u32 $0x7, v3;
	v4 =	vand.u32 $0xFFFFFFC0, v4  }
0xb9: {  	v3 =	vor.u32 v3, v4  }
0xba: {  	v4 =	vperm.xlane v3, v0;
	_ =	sdelay $0x1  }
0xbb: {  	v4 =	vadd.s32 v1, v4;
	_ =	sdelay $0x4  }
0xbc: {  	[tilespmem:s13], [sflag:$0x1] =	stream.indirect_vreg.gather [hbm4b:s2+s3], $0x80, v4, vm0, $0xb8;
	[tilespmem:$0x19000] =	vst v63  }
0xbd: {  	s28 =	simm.s32 $0x1800;
	v3 =	vperm.xlane v3, v2  }
0xbe: {  	[tilespmem:s28], [sflag:$0x1] =	stream.indirect_vreg.gather [hbm4b:s5+s3], $0x80, v4, vm0, $0xb8;
	[tilespmem:$0x19000] =	vst v63  }
0xbf: {  	v3 =	vadd.s32 v1, v3;
	s28 =	simm.s32 $0x2000  }
0xc0: {  	[tilespmem:s28], [sflag:$0x1] =	stream.indirect_vreg.gather [hbm4b:s6+s3], $0x80, v4, vm0, $0xb8;
	[tilespmem:$0x19000] =	vst v63  }
0xc1: {  	s28 =	simm.s32 $0x2800  }
0xc2: {  	[tilespmem:s28], [sflag:$0x1] =	stream.indirect_vreg.gather [hbm4b:s7+s3], $0x80, v4, vm0, $0xb8;
	[tilespmem:$0x19000] =	vst v63  }
0xc3: {  	s28 =	simm.s32 $0x3000  }
0xc4: {  	[tilespmem:s28], [sflag:$0x1] =	stream.indirect_vreg.gather [hbm4b:s2+s3], $0x80, v3, vm0, $0xb8;
	[tilespmem:$0x19000] =	vst v63  }
0xc5: {  	s28 =	simm.s32 $0x3800  }
0xc6: {  	[tilespmem:s28], [sflag:$0x1] =	stream.indirect_vreg.gather [hbm4b:s5+s3], $0x80, v3, vm0, $0xb8;
	[tilespmem:$0x19000] =	vst v63  }
0xc7: {  	s28 =	simm.s32 $0x4000  }
0xc8: {  	[tilespmem:s28], [sflag:$0x1] =	stream.indirect_vreg.gather [hbm4b:s6+s3], $0x80, v3, vm0, $0xb8;
	[tilespmem:$0x19000] =	vst v63  }
0xc9: {  	s28 =	simm.s32 $0x4800  }
0xca: {  	[tilespmem:s28], [sflag:$0x1] =	stream.indirect_vreg.gather [hbm4b:s7+s3], $0x80, v3, vm0, $0xb8;
	[tilespmem:$0x19000] =	vst v63  }
0xcb: {  	v3 =	vld [tilespmem:s16+$0xFFFFFF00];
	_ =	sdelay $0x4  }
0xcc: {  	v61 =	vshll.u32 v3, $0x3  }
0xcd: {  	v3 =	vand.u32 $0x7, v3;
	v4 =	vand.u32 $0xFFFFFFC0, v61  }
0xce: {  	v3 =	vor.u32 v3, v4  }
0xcf: {  	v4 =	vperm.xlane v3, v0;
	_ =	sdelay $0x1  }
0xd0: {  	v4 =	vadd.s32 v1, v4;
	_ =	sdelay $0x3  }
0xd1: {  	s28 =	simm.s32 $0x5000  }
0xd2: {  	[tilespmem:s28], [sflag:$0x1] =	stream.indirect_vreg.gather [hbm4b:s2+s3], $0x80, v4, vm0, $0xb8;
	[tilespmem:$0x19000] =	vst v63  }
0xd3: {  	v3 =	vperm.xlane v3, v2;
	s28 =	simm.s32 $0x5800  }
0xd4: {  	[tilespmem:s28], [sflag:$0x1] =	stream.indirect_vreg.gather [hbm4b:s5+s3], $0x80, v4, vm0, $0xb8;
	[tilespmem:$0x19000] =	vst v63  }
0xd5: {  	v3 =	vadd.s32 v1, v3;
	s28 =	simm.s32 $0x6000  }
0xd6: {  	[tilespmem:s28], [sflag:$0x1] =	stream.indirect_vreg.gather [hbm4b:s6+s3], $0x80, v4, vm0, $0xb8;
	[tilespmem:$0x19000] =	vst v63  }
0xd7: {  	s28 =	simm.s32 $0x6800  }
0xd8: {  	[tilespmem:s28], [sflag:$0x1] =	stream.indirect_vreg.gather [hbm4b:s7+s3], $0x80, v4, vm0, $0xb8;
	[tilespmem:$0x19000] =	vst v63  }
0xd9: {  	s28 =	simm.s32 $0x7000  }
0xda: {  	[tilespmem:s28], [sflag:$0x1] =	stream.indirect_vreg.gather [hbm4b:s2+s3], $0x80, v3, vm0, $0xb8;
	[tilespmem:$0x19000] =	vst v63  }
0xdb: {  	s28 =	simm.s32 $0x7800  }
0xdc: {  	[tilespmem:s28], [sflag:$0x1] =	stream.indirect_vreg.gather [hbm4b:s5+s3], $0x80, v3, vm0, $0xb8;
	[tilespmem:$0x19000] =	vst v63  }
0xdd: {  	s28 =	simm.s32 $0x8000  }
0xde: {  	[tilespmem:s28], [sflag:$0x1] =	stream.indirect_vreg.gather [hbm4b:s6+s3], $0x80, v3, vm0, $0xb8;
	[tilespmem:$0x19000] =	vst v63  }
0xdf: {  	s28 =	simm.s32 $0x8800  }
0xe0: {  	[tilespmem:s28], [sflag:$0x1] =	stream.indirect_vreg.gather [hbm4b:s7+s3], $0x80, v3, vm0, $0xb8;
	[tilespmem:$0x19000] =	vst v63  }
0xe1: {  	_ =	swait.ge [sflag:s15], $0x8000  }
0xe2: {  	[sflag:s15] =	ssyncset.done $0x0  }
0xe3: {  	s28 =	sadd.s32 $0x1000, s17;
	[sflag:s15] =	ssyncadd.s32 $0xFFFF8000  }
0xe4: {  	[hbm4b:s28+s3] =	stream.linear.scatter [tilespmem:s30], [sflag:$0x4], $0x8000, $0x38;
	[tilespmem:$0x19000] =	vst v63  }
0xe5: {  	_ =	swait.ge [sflag:s12], $0x8000  }
0xe6: {  	[sflag:s12] =	ssyncset.done $0x0  }
0xe7: {  	[sflag:s12] =	ssyncadd.s32 $0xFFFF8000  }
0xe8: {  	v3 =	vld [tilespmem:s16+$0xFFFFFF70];
	_ =	sdelay $0x4  }
0xe9: {  	v62 =	vshll.u32 v3, $0x3  }
0xea: {  	v3 =	vand.u32 $0x7, v3;
	v4 =	vand.u32 $0xFFFFFFC0, v62  }
0xeb: {  	v3 =	vor.u32 v3, v4  }
0xec: {  	v4 =	vperm.xlane v3, v0;
	_ =	sdelay $0x1  }
0xed: {  	v4 =	vadd.s32 v1, v4;
	_ =	sdelay $0x4  }
0xee: {  	[tilespmem:s30], [sflag:$0x2] =	stream.indirect_vreg.gather [hbm4b:s2+s3], $0x80, v4, vm0, $0xb8;
	[tilespmem:$0x19000] =	vst v63  }
0xef: {  	s28 =	simm.s32 $0x9800;
	v3 =	vperm.xlane v3, v2  }
0xf0: {  	[tilespmem:s28], [sflag:$0x2] =	stream.indirect_vreg.gather [hbm4b:s5+s3], $0x80, v4, vm0, $0xb8;
	[tilespmem:$0x19000] =	vst v63  }
0xf1: {  	v3 =	vadd.s32 v1, v3;
	s28 =	simm.s32 $0xA000  }
0xf2: {  	[tilespmem:s28], [sflag:$0x2] =	stream.indirect_vreg.gather [hbm4b:s6+s3], $0x80, v4, vm0, $0xb8;
	[tilespmem:$0x19000] =	vst v63  }
0xf3: {  	s28 =	simm.s32 $0xA800  }
0xf4: {  	[tilespmem:s28], [sflag:$0x2] =	stream.indirect_vreg.gather [hbm4b:s7+s3], $0x80, v4, vm0, $0xb8;
	[tilespmem:$0x19000] =	vst v63  }
0xf5: {  	s28 =	simm.s32 $0xB000  }
0xf6: {  	[tilespmem:s28], [sflag:$0x2] =	stream.indirect_vreg.gather [hbm4b:s2+s3], $0x80, v3, vm0, $0xb8;
	[tilespmem:$0x19000] =	vst v63  }
0xf7: {  	s28 =	simm.s32 $0xB800  }
0xf8: {  	[tilespmem:s28], [sflag:$0x2] =	stream.indirect_vreg.gather [hbm4b:s5+s3], $0x80, v3, vm0, $0xb8;
	[tilespmem:$0x19000] =	vst v63  }
0xf9: {  	s28 =	simm.s32 $0xC000  }
0xfa: {  	[tilespmem:s28], [sflag:$0x2] =	stream.indirect_vreg.gather [hbm4b:s6+s3], $0x80, v3, vm0, $0xb8;
	[tilespmem:$0x19000] =	vst v63  }
0xfb: {  	s28 =	simm.s32 $0xC800  }
0xfc: {  	[tilespmem:s28], [sflag:$0x2] =	stream.indirect_vreg.gather [hbm4b:s7+s3], $0x80, v3, vm0, $0xb8;
	[tilespmem:$0x19000] =	vst v63  }
0xfd: {  	v3 =	vld [tilespmem:s16+$0xFFFFFF80];
	_ =	sdelay $0x4  }
0xfe: {  	v63 =	vshll.u32 v3, $0x3  }
0xff: {  	v3 =	vand.u32 $0x7, v3;
	v4 =	vand.u32 $0xFFFFFFC0, v63  }
0x100: {  	v3 =	vor.u32 v3, v4  }
0x101: {  	v4 =	vperm.xlane v3, v0;
	_ =	sdelay $0x1  }
0x102: {  	v4 =	vadd.s32 v1, v4;
	_ =	sdelay $0x3  }
0x103: {  	s28 =	simm.s32 $0xD000  }
0x104: {  	[tilespmem:s28], [sflag:$0x2] =	stream.indirect_vreg.gather [hbm4b:s2+s3], $0x80, v4, vm0, $0xb8;
	[tilespmem:$0x19000] =	vst v63  }
0x105: {  	v3 =	vperm.xlane v3, v2;
	s28 =	simm.s32 $0xD800  }
0x106: {  	[tilespmem:s28], [sflag:$0x2] =	stream.indirect_vreg.gather [hbm4b:s5+s3], $0x80, v4, vm0, $0xb8;
	[tilespmem:$0x19000] =	vst v63  }
0x107: {  	v3 =	vadd.s32 v1, v3;
	s28 =	simm.s32 $0xE000  }
0x108: {  	[tilespmem:s28], [sflag:$0x2] =	stream.indirect_vreg.gather [hbm4b:s6+s3], $0x80, v4, vm0, $0xb8;
	[tilespmem:$0x19000] =	vst v63  }
0x109: {  	s28 =	simm.s32 $0xE800  }
0x10a: {  	[tilespmem:s28], [sflag:$0x2] =	stream.indirect_vreg.gather [hbm4b:s7+s3], $0x80, v4, vm0, $0xb8;
	[tilespmem:$0x19000] =	vst v63  }
0x10b: {  	_ = 	snop  }
0x10c: {  	[tilespmem:s18], [sflag:$0x2] =	stream.indirect_vreg.gather [hbm4b:s2+s3], $0x80, v3, vm0, $0xb8;
	[tilespmem:$0x19000] =	vst v63  }
0x10d: {  	_ = 	snop  }
0x10e: {  	[tilespmem:s19], [sflag:$0x2] =	stream.indirect_vreg.gather [hbm4b:s5+s3], $0x80, v3, vm0, $0xb8;
	[tilespmem:$0x19000] =	vst v63  }
0x10f: {  	_ = 	snop  }
0x110: {  	[tilespmem:s20], [sflag:$0x2] =	stream.indirect_vreg.gather [hbm4b:s6+s3], $0x80, v3, vm0, $0xb8;
	[tilespmem:$0x19000] =	vst v63  }
0x111: {  	_ = 	snop  }
0x112: {  	[tilespmem:s21], [sflag:$0x2] =	stream.indirect_vreg.gather [hbm4b:s7+s3], $0x80, v3, vm0, $0xb8;
	[tilespmem:$0x19000] =	vst v63  }
0x113: {  	_ =	swait.ge [sflag:s25], $0x8000  }
0x114: {  	p0 =	seq.s32 s26, $0x1B000;
	[sflag:s25] =	ssyncset.done $0x0  }
.Ltmp2:
0x115: {  	s17 =	sadd.s32 $0x2000, s17;
	[sflag:s25] =	ssyncadd.s32 $0xFFFF8000;
	(pc) =	sbr.rel @p0 .LBB2_4-.Ltmp2, $4  }
0x116: {  	[hbm4b:s17+s3] =	stream.linear.scatter [tilespmem:s22], [sflag:$0x4], $0x8000, $0x38;
	[tilespmem:$0x19000] =	vst v63  }
0x117: {  	_ =	swait.ge [sflag:s12], $0x8000  }
0x118: {  	[sflag:s12] =	ssyncset.done $0x0  }
0x119: {  	[sflag:s12] =	ssyncadd.s32 $0xFFFF8000  }
0x11a: {  	v3 =	vld [tilespmem:s16+$0xFFFFFFF0];
	_ =	sdelay $0x4  }
0x11b: {  	v4 =	vshll.u32 v3, $0x3  }
0x11c: {  	v3 =	vand.u32 $0x7, v3;
	v4 =	vand.u32 $0xFFFFFFC0, v4  }
0x11d: {  	v3 =	vor.u32 v3, v4  }
0x11e: {  	v4 =	vperm.xlane v3, v0;
	_ =	sdelay $0x1  }
0x11f: {  	v4 =	vadd.s32 v1, v4;
	_ =	sdelay $0x4  }
0x120: {  	[tilespmem:s22], [sflag:$0x3] =	stream.indirect_vreg.gather [hbm4b:s2+s3], $0x80, v4, vm0, $0xb8;
	[tilespmem:$0x19000] =	vst v63  }
0x121: {  	s17 =	simm.s32 $0x11800;
	v3 =	vperm.xlane v3, v2  }
0x122: {  	[tilespmem:s17], [sflag:$0x3] =	stream.indirect_vreg.gather [hbm4b:s5+s3], $0x80, v4, vm0, $0xb8;
	[tilespmem:$0x19000] =	vst v63  }
0x123: {  	s28 =	simm.s32 $0x12000;
	v3 =	vadd.s32 v1, v3  }
0x124: {  	[tilespmem:s28], [sflag:$0x3] =	stream.indirect_vreg.gather [hbm4b:s6+s3], $0x80, v4, vm0, $0xb8;
	[tilespmem:$0x19000] =	vst v63  }
0x125: {  	s28 =	simm.s32 $0x12800  }
0x126: {  	[tilespmem:s28], [sflag:$0x3] =	stream.indirect_vreg.gather [hbm4b:s7+s3], $0x80, v4, vm0, $0xb8;
	[tilespmem:$0x19000] =	vst v63  }
0x127: {  	s28 =	simm.s32 $0x13000  }
0x128: {  	[tilespmem:s28], [sflag:$0x3] =	stream.indirect_vreg.gather [hbm4b:s2+s3], $0x80, v3, vm0, $0xb8;
	[tilespmem:$0x19000] =	vst v63  }
0x129: {  	s28 =	simm.s32 $0x13800  }
0x12a: {  	[tilespmem:s28], [sflag:$0x3] =	stream.indirect_vreg.gather [hbm4b:s5+s3], $0x80, v3, vm0, $0xb8;
	[tilespmem:$0x19000] =	vst v63  }
0x12b: {  	_ = 	snop  }
0x12c: {  	[tilespmem:s29], [sflag:$0x3] =	stream.indirect_vreg.gather [hbm4b:s6+s3], $0x80, v3, vm0, $0xb8;
	[tilespmem:$0x19000] =	vst v63  }
0x12d: {  	_ = 	snop  }
0x12e: {  	[tilespmem:s31], [sflag:$0x3] =	stream.indirect_vreg.gather [hbm4b:s7+s3], $0x80, v3, vm0, $0xb8;
	[tilespmem:$0x19000] =	vst v63  }
0x12f: {  	v3 =	vld [tilespmem:s16+$0x0];
	_ =	sdelay $0x4  }
0x130: {  	v63 =	vshll.u32 v3, $0x3  }
0x131: {  	v3 =	vand.u32 $0x7, v3;
	v4 =	vand.u32 $0xFFFFFFC0, v63  }
0x132: {  	v3 =	vor.u32 v3, v4  }
0x133: {  	v4 =	vperm.xlane v3, v0;
	_ =	sdelay $0x1  }
0x134: {  	v4 =	vadd.s32 v1, v4;
	_ =	sdelay $0x4  }
0x135: {  	[tilespmem:s0], [sflag:$0x3] =	stream.indirect_vreg.gather [hbm4b:s2+s3], $0x80, v4, vm0, $0xb8;
	[tilespmem:$0x19000] =	vst v63  }
0x136: {  	v3 =	vperm.xlane v3, v2  }
0x137: {  	[tilespmem:s1], [sflag:$0x3] =	stream.indirect_vreg.gather [hbm4b:s5+s3], $0x80, v4, vm0, $0xb8;
	[tilespmem:$0x19000] =	vst v63  }
0x138: {  	v3 =	vadd.s32 v1, v3  }
0x139: {  	[tilespmem:s4], [sflag:$0x3] =	stream.indirect_vreg.gather [hbm4b:s6+s3], $0x80, v4, vm0, $0xb8;
	[tilespmem:$0x19000] =	vst v63  }
0x13a: {  	_ = 	snop  }
0x13b: {  	[tilespmem:s8], [sflag:$0x3] =	stream.indirect_vreg.gather [hbm4b:s7+s3], $0x80, v4, vm0, $0xb8;
	[tilespmem:$0x19000] =	vst v63  }
0x13c: {  	_ = 	snop  }
0x13d: {  	[tilespmem:s9], [sflag:$0x3] =	stream.indirect_vreg.gather [hbm4b:s2+s3], $0x80, v3, vm0, $0xb8;
	[tilespmem:$0x19000] =	vst v63  }
0x13e: {  	_ = 	snop  }
0x13f: {  	[tilespmem:s10], [sflag:$0x3] =	stream.indirect_vreg.gather [hbm4b:s5+s3], $0x80, v3, vm0, $0xb8;
	[tilespmem:$0x19000] =	vst v63  }
.Ltmp3:
0x140: {  	_ = 	snop;
	(pc) =	sbr.rel .LBB2_2-.Ltmp3, $4  }
0x141: {  	_ = 	snop  }
0x142: {  	[tilespmem:s23], [sflag:$0x3] =	stream.indirect_vreg.gather [hbm4b:s6+s3], $0x80, v3, vm0, $0xb8;
	[tilespmem:$0x19000] =	vst v63  }
0x143: {  	s26 =	sadd.s32 $0x3000, s26;
	s16 =	sadd.s32 $0x180, s16  }
0x144: {  	[tilespmem:s14], [sflag:$0x3] =	stream.indirect_vreg.gather [hbm4b:s7+s3], $0x80, v3, vm0, $0xb8;
	[tilespmem:$0x19000] =	vst v63  }
.LBB2_5:
0x145: {  	_ =	sfence.sel $0x180000  }
0x146: {  	[bflag:$0x0] =	sbarrier.arrive $0xFFFF  }
0x147: {  	_ =	strace $0x90000047  }
0x148: {  	s0 =	stileid.u32;
	[bflag:$0x2] =	sbarrier.arrive $0xFFFF  }
0x149: {  	p0 =	sne.s32 s0, $0x0;
	s0 =	rddreg [dreg:$0x3]  }
0x14a: {  	s0 =	sadd.s32 @!p0 $0x100000, s0  }
0x14b: {  	[sflag:s0] =	ssyncadd.tile.s32 @!p0 $0x1;
	_ =	shalt  }
.Lfunc_end2:
_tile_overlayer_lowered:
.L_overlay_start_2:
0x14c: {  	(tag) =	ssettag $0x2  }
0x14d: {  	s0 =	rddreg [dreg:$0x0];
	s2 =	stileid.u32  }
0x14e: {  	s1 =	rddreg [dreg:$0x1];
	p0 =	sne.s32 s2, $0x0  }
0x14f: {  	s3 =	rddreg [dreg:$0x2];
	[bflag:$0x3] =	sbarrier.arrive $0xFFFF;
	s2 =	simm.s32 @!p0 $0x1C04  }
0x150: {  	[timem:s3], [sflag:s2] =	dma.local @!p0 [hbm:s0], s1  }
0x151: {  	s0 =	simm.s32 @!p0 $0x4  }
0x152: {  	_ =	swait.ge @!p0 [sflag:s0], s1  }
0x153: {  	s1 =	ssub.s32 @!p0 $0x0, s1;
	[sflag:s0] =	ssyncset.done @!p0 $0x0  }
0x154: {  	[sflag:s0] =	ssyncadd.s32 @!p0 s1  }
0x155: {  	[bflag:$0x3] =	sbarrier.arrive $0xFFFF  }
0x156: {  	_ =	shalt  }

</sc_bundles>
